<compile_context>
chip_gen: v7x
topology: tpu7x:2x2x1
jax: 0.10.2.dev20260603
libtpu: 0.0.44.dev20260713+nightly
codegen_flags: <defaults>
</compile_context>

<pallas_src>
import functools

import jax
import jax.numpy as jnp
from jax import lax
from jax.experimental import pallas as pl
from jax.experimental.pallas import tpu as pltpu
from jax.experimental.pallas import tpu_sc as plsc

N = 8192
K = 5
LAMBDA_S = 0.01
ROWS = 512

_IDX_MASK = 0x1FFF


def _topk_body(pos_blk, pos_t, out_idx, key_ref):
    xs = pos_blk[:, 0:1]
    ys = pos_blk[:, 1:2]
    zs = pos_blk[:, 2:3]
    xc = pos_t[0:1, :]
    yc = pos_t[1:2, :]
    zc = pos_t[2:3, :]
    bf = jnp.bfloat16
    f32 = jnp.float32
    dot = lax.dot_general(
        pos_blk[...].astype(bf),
        pos_t[...].astype(bf),
        (((1,), (0,)), ((), ())),
        preferred_element_type=f32,
    )
    sq_r = xs * xs + ys * ys + zs * zs
    sq_c = xc * xc + yc * yc + zc * zc
    d2 = sq_r + sq_c - 2.0 * dot
    d2 = jnp.maximum(d2, 0.0)

    col = lax.broadcasted_iota(jnp.int32, (ROWS, N), 1)
    bits = lax.bitcast_convert_type(d2, jnp.int32)
    key_ref[...] = lax.bitcast_convert_type(
        ((bits & jnp.int32(~_IDX_MASK)) | col) + jnp.int32(0x00800000), f32
    )
    big = jnp.float32(2.0**127)
    for j in range(K + 1):
        key = key_ref[...]
        m = jnp.min(key, axis=1, keepdims=True)
        if j > 0:
            out_idx[:, j - 1 : j] = (
                lax.bitcast_convert_type(m, jnp.int32) & _IDX_MASK
            )
        if j < K:
            key_ref[...] = jnp.where(key == m, big, key)


_NC = 2
_NS = 16
_NW = _NC * _NS
_PER = (N * K) // _NW
_CH = _PER // 16

@functools.cache
def _make_sc_loss():
    mesh = plsc.VectorSubcoreMesh(core_axis_name="c", subcore_axis_name="s")

    @functools.partial(
        pl.kernel,
        mesh=mesh,
        compiler_params=pltpu.CompilerParams(needs_layout_passes=False),
        out_type=jax.ShapeDtypeStruct((_NW, 2, 16), jnp.float32),
        scratch_types=[
            pltpu.VMEM((N,), jnp.float32),
            pltpu.VMEM((N,), jnp.float32),
            pltpu.VMEM((N,), jnp.float32),
            pltpu.VMEM((N,), jnp.float32),
            pltpu.VMEM((_PER,), jnp.int32),
            pltpu.VMEM((_PER,), jnp.int32),
            pltpu.VMEM((16,), jnp.float32),
            pltpu.VMEM((16,), jnp.float32),
        ],
    )
    def _sc_loss(w_hbm, lx_hbm, ly_hbm, lz_hbm, idxn_hbm, idxs_hbm, out_hbm,
                 w_v, x_v, y_v, z_v, in_v, is_v, ow_v, ol_v):
        wid = lax.axis_index("s") * _NC + lax.axis_index("c")
        base = wid * _PER
        pltpu.sync_copy(w_hbm, w_v)
        pltpu.sync_copy(lx_hbm, x_v)
        pltpu.sync_copy(ly_hbm, y_v)
        pltpu.sync_copy(lz_hbm, z_v)
        pltpu.sync_copy(idxn_hbm.at[pl.ds(base, _PER)], in_v)
        pltpu.sync_copy(idxs_hbm.at[pl.ds(base, _PER)], is_v)

        def body(t, carry):
            accw, accl = carry
            off = t * 16
            jn = in_v[pl.ds(off, 16)]
            js = is_v[pl.ds(off, 16)]
            wj = plsc.load_gather(w_v, [jn])
            wi = plsc.load_gather(w_v, [js])
            dw = wi - wj
            accw = accw + dw * dw
            xj = plsc.load_gather(x_v, [jn])
            xi = plsc.load_gather(x_v, [js])
            dx = xi - xj
            accl = accl + dx * dx
            yj = plsc.load_gather(y_v, [jn])
            yi = plsc.load_gather(y_v, [js])
            dy = yi - yj
            accl = accl + dy * dy
            zj = plsc.load_gather(z_v, [jn])
            zi = plsc.load_gather(z_v, [js])
            dz = zi - zj
            accl = accl + dz * dz
            return accw, accl

        zero = jnp.zeros((16,), jnp.float32)
        accw, accl = lax.fori_loop(0, _CH, body, (zero, zero))
        ow_v[...] = accw
        ol_v[...] = accl
        pltpu.sync_copy(ow_v, out_hbm.at[wid, 0])
        pltpu.sync_copy(ol_v, out_hbm.at[wid, 1])

    return _sc_loss


def kernel(positions, weights, log_scales):
    idx = pl.pallas_call(
        _topk_body,
        grid=(N // ROWS,),
        in_specs=[
            pl.BlockSpec((ROWS, 3), lambda i: (i, 0)),
            pl.BlockSpec((3, N), lambda i: (0, 0)),
        ],
        out_specs=pl.BlockSpec((ROWS, K), lambda i: (i, 0)),
        out_shape=jax.ShapeDtypeStruct((N, K), jnp.int32),
        scratch_shapes=[pltpu.VMEM((ROWS, N), jnp.float32)],
    )(positions, positions.T)

    idxn = idx.reshape(-1)
    idxs = jnp.repeat(jnp.arange(N, dtype=jnp.int32), K)
    parts = _make_sc_loss()(
        weights,
        log_scales[:, 0],
        log_scales[:, 1],
        log_scales[:, 2],
        idxn,
        idxs,
    )
    sw = jnp.sum(parts[:, 0, :])
    sl = jnp.sum(parts[:, 1, :])
    loss = LAMBDA_S * (sw / (N * K) + sl / (N * K * 3))
    return loss.astype(jnp.float32)

# --- scband reference (transcript-rebuilt; emitter-appended) ---
"""Pipeline reference for scband-smoothness-regularization-35940286332981 (READ-ONLY COPY).

The authoritative reference and input builder live on the scoring server;
editing this copy changes nothing except your own understanding.
"""

import jax, jax.numpy as jnp
import numpy as np

N = 8192
LAMBDA_S = 0.01
NUM_NEIGHBORS = 5

def setup_inputs(seed: int = 0) -> dict:
    key = jax.random.key(seed)
    k1, k2, k3 = jax.random.split(key, 3)
    positions = jax.random.normal(k1, (N, 3), dtype=jnp.float32)
    weights = jax.random.normal(k2, (N,), dtype=jnp.float32)
    log_scales = jax.random.normal(k3, (N, 3), dtype=jnp.float32)
    return {"positions": positions, "weights": weights, "log_scales": log_scales}

def reference(positions, weights, log_scales):
    n = positions.shape[0]
    # torch.cdist: pairwise euclidean distances
    sq = jnp.sum(positions * positions, axis=1)
    d2 = sq[:, None] + sq[None, :] - 2.0 * (positions @ positions.T)
    distances = jnp.sqrt(jnp.clip(d2, 0.0, None))
    k = min(NUM_NEIGHBORS, n - 1)
    # topk smallest -> top_k of negated distances
    _, indices = jax.lax.top_k(-distances, k + 1)
    neighbor_indices = indices[:, 1:]
    weight_diff = weights[:, None] - weights[neighbor_indices]
    weight_smoothness = jnp.mean(weight_diff ** 2)
    scale_diff = log_scales[:, None, :] - log_scales[neighbor_indices]
    scale_smoothness = jnp.mean(scale_diff ** 2)
    return LAMBDA_S * (weight_smoothness + scale_smoothness)

if __name__ == "__main__":
    import jax
    _d = setup_inputs()
    print(jax.jit(kernel)(*tuple(_d.values())))

</pallas_src>

<mosaic_0001>
#map = affine_map<(d0, d1) -> (0)>
#map1 = affine_map<(d0, d1) -> (0, 0, 0)>
module attributes {stable_mosaic.version = 14 : i64} {
  func.func @_sc_loss(%arg0: i32, %arg1: i32, %arg2: memref<8192xf32, #tpu.memory_space<hbm>>, %arg3: memref<8192xf32, #tpu.memory_space<hbm>>, %arg4: memref<8192xf32, #tpu.memory_space<hbm>>, %arg5: memref<8192xf32, #tpu.memory_space<hbm>>, %arg6: memref<40960xi32, #tpu.memory_space<hbm>>, %arg7: memref<40960xi32, #tpu.memory_space<hbm>>, %arg8: memref<32x2x16xf32, #tpu.memory_space<hbm>>, %arg9: memref<8192xf32, #tpu.memory_space<vmem>>, %arg10: memref<8192xf32, #tpu.memory_space<vmem>>, %arg11: memref<8192xf32, #tpu.memory_space<vmem>>, %arg12: memref<8192xf32, #tpu.memory_space<vmem>>, %arg13: memref<1280xi32, #tpu.memory_space<vmem>>, %arg14: memref<1280xi32, #tpu.memory_space<vmem>>, %arg15: memref<16xf32, #tpu.memory_space<vmem>>, %arg16: memref<16xf32, #tpu.memory_space<vmem>>) attributes {dimension_semantics = [#tpu.dimension_semantics<core_parallel>, #tpu.dimension_semantics<subcore_parallel>], iteration_bounds = array<i64: 2, 16>, scalar_prefetch = 0 : i64, scratch_operands = 8 : i64, tpu.core_type = #tpu.core_type<sc_vector_subcore>, window_params = [{transform_indices = #map}, {transform_indices = #map}, {transform_indices = #map}, {transform_indices = #map}, {transform_indices = #map}, {transform_indices = #map}, {transform_indices = #map1}]} {
    %mul3A = arith.constant 2 : i32
    %mul3A_0 = arith.muli %arg1, %mul3A : i32
    %add3A = arith.addi %mul3A_0, %arg0 : i32
    %mul3A_1 = arith.constant 1280 : i32
    %mul3A_2 = arith.muli %add3A, %mul3A_1 : i32
    "tpu.region"() ({
      %run_scoped3A_13 = tpu.sem_alloc : memref<!tpu.dma_semaphore, #tpu.memory_space<semaphore_mem>>
      tpu.enqueue_dma source(%arg2 : memref<8192xf32, #tpu.memory_space<hbm>>) target(%arg9 : memref<8192xf32, #tpu.memory_space<vmem>>) target_semaphore(%run_scoped3A_13 : memref<!tpu.dma_semaphore, #tpu.memory_space<semaphore_mem>>)
      tpu.wait_dma2 semaphore(%run_scoped3A_13 : memref<!tpu.dma_semaphore, #tpu.memory_space<semaphore_mem>>) src(%arg2 : memref<8192xf32, #tpu.memory_space<hbm>>) dst(%arg9 : memref<8192xf32, #tpu.memory_space<vmem>>)
      tpu.yield
    }) : () -> ()
    "tpu.region"() ({
      %run_scoped3A_13 = tpu.sem_alloc : memref<!tpu.dma_semaphore, #tpu.memory_space<semaphore_mem>>
      tpu.enqueue_dma source(%arg3 : memref<8192xf32, #tpu.memory_space<hbm>>) target(%arg10 : memref<8192xf32, #tpu.memory_space<vmem>>) target_semaphore(%run_scoped3A_13 : memref<!tpu.dma_semaphore, #tpu.memory_space<semaphore_mem>>)
      tpu.wait_dma2 semaphore(%run_scoped3A_13 : memref<!tpu.dma_semaphore, #tpu.memory_space<semaphore_mem>>) src(%arg3 : memref<8192xf32, #tpu.memory_space<hbm>>) dst(%arg10 : memref<8192xf32, #tpu.memory_space<vmem>>)
      tpu.yield
    }) : () -> ()
    "tpu.region"() ({
      %run_scoped3A_13 = tpu.sem_alloc : memref<!tpu.dma_semaphore, #tpu.memory_space<semaphore_mem>>
      tpu.enqueue_dma source(%arg4 : memref<8192xf32, #tpu.memory_space<hbm>>) target(%arg11 : memref<8192xf32, #tpu.memory_space<vmem>>) target_semaphore(%run_scoped3A_13 : memref<!tpu.dma_semaphore, #tpu.memory_space<semaphore_mem>>)
      tpu.wait_dma2 semaphore(%run_scoped3A_13 : memref<!tpu.dma_semaphore, #tpu.memory_space<semaphore_mem>>) src(%arg4 : memref<8192xf32, #tpu.memory_space<hbm>>) dst(%arg11 : memref<8192xf32, #tpu.memory_space<vmem>>)
      tpu.yield
    }) : () -> ()
    "tpu.region"() ({
      %run_scoped3A_13 = tpu.sem_alloc : memref<!tpu.dma_semaphore, #tpu.memory_space<semaphore_mem>>
      tpu.enqueue_dma source(%arg5 : memref<8192xf32, #tpu.memory_space<hbm>>) target(%arg12 : memref<8192xf32, #tpu.memory_space<vmem>>) target_semaphore(%run_scoped3A_13 : memref<!tpu.dma_semaphore, #tpu.memory_space<semaphore_mem>>)
      tpu.wait_dma2 semaphore(%run_scoped3A_13 : memref<!tpu.dma_semaphore, #tpu.memory_space<semaphore_mem>>) src(%arg5 : memref<8192xf32, #tpu.memory_space<hbm>>) dst(%arg12 : memref<8192xf32, #tpu.memory_space<vmem>>)
      tpu.yield
    }) : () -> ()
    "tpu.region"() ({
      %run_scoped3A_13 = tpu.sem_alloc : memref<!tpu.dma_semaphore, #tpu.memory_space<semaphore_mem>>
      %dma_start3A = tpu.memref_slice %arg6[%mul3A_2] : memref<40960xi32, #tpu.memory_space<hbm>> -> memref<1280xi32, #tpu.memory_space<hbm>>
      %dma_start3A_14 = tpu.memref_slice %arg6[%mul3A_2] : memref<40960xi32, #tpu.memory_space<hbm>> -> memref<1280xi32, #tpu.memory_space<hbm>>
      tpu.enqueue_dma source(%dma_start3A_14 : memref<1280xi32, #tpu.memory_space<hbm>>) target(%arg13 : memref<1280xi32, #tpu.memory_space<vmem>>) target_semaphore(%run_scoped3A_13 : memref<!tpu.dma_semaphore, #tpu.memory_space<semaphore_mem>>)
      %dma_wait3A = tpu.memref_slice %arg6[%mul3A_2] : memref<40960xi32, #tpu.memory_space<hbm>> -> memref<1280xi32, #tpu.memory_space<hbm>>
      %dma_wait3A_15 = tpu.memref_slice %arg6[%mul3A_2] : memref<40960xi32, #tpu.memory_space<hbm>> -> memref<1280xi32, #tpu.memory_space<hbm>>
      tpu.wait_dma2 semaphore(%run_scoped3A_13 : memref<!tpu.dma_semaphore, #tpu.memory_space<semaphore_mem>>) src(%dma_wait3A_15 : memref<1280xi32, #tpu.memory_space<hbm>>) dst(%arg13 : memref<1280xi32, #tpu.memory_space<vmem>>)
      tpu.yield
    }) : () -> ()
    "tpu.region"() ({
      %run_scoped3A_13 = tpu.sem_alloc : memref<!tpu.dma_semaphore, #tpu.memory_space<semaphore_mem>>
      %dma_start3A = tpu.memref_slice %arg7[%mul3A_2] : memref<40960xi32, #tpu.memory_space<hbm>> -> memref<1280xi32, #tpu.memory_space<hbm>>
      %dma_start3A_14 = tpu.memref_slice %arg7[%mul3A_2] : memref<40960xi32, #tpu.memory_space<hbm>> -> memref<1280xi32, #tpu.memory_space<hbm>>
      tpu.enqueue_dma source(%dma_start3A_14 : memref<1280xi32, #tpu.memory_space<hbm>>) target(%arg14 : memref<1280xi32, #tpu.memory_space<vmem>>) target_semaphore(%run_scoped3A_13 : memref<!tpu.dma_semaphore, #tpu.memory_space<semaphore_mem>>)
      %dma_wait3A = tpu.memref_slice %arg7[%mul3A_2] : memref<40960xi32, #tpu.memory_space<hbm>> -> memref<1280xi32, #tpu.memory_space<hbm>>
      %dma_wait3A_15 = tpu.memref_slice %arg7[%mul3A_2] : memref<40960xi32, #tpu.memory_space<hbm>> -> memref<1280xi32, #tpu.memory_space<hbm>>
      tpu.wait_dma2 semaphore(%run_scoped3A_13 : memref<!tpu.dma_semaphore, #tpu.memory_space<semaphore_mem>>) src(%dma_wait3A_15 : memref<1280xi32, #tpu.memory_space<hbm>>) dst(%arg14 : memref<1280xi32, #tpu.memory_space<vmem>>)
      tpu.yield
    }) : () -> ()
    %broadcast_in_dim3A = arith.constant 0.000000e+00 : f32
    %broadcast_in_dim3A_3 = vector.broadcast %broadcast_in_dim3A : f32 to vector<16xf32>
    %scan3A = arith.constant 0 : i32
    %scan3A_4 = arith.constant 80 : i32
    %scan3A_5 = arith.addi %scan3A, %scan3A_4 : i32
    %scan3A_6 = arith.constant 1 : i32
    %scan3A_7:2 = scf.for %scan3A_13 = %scan3A to %scan3A_5 step %scan3A_6 iter_args(%scan3A_14 = %broadcast_in_dim3A_3, %scan3A_15 = %broadcast_in_dim3A_3) -> (vector<16xf32>, vector<16xf32>)  : i32 {
      %mul3A_16 = arith.constant 16 : i32
      %mul3A_17 = arith.muli %scan3A_13, %mul3A_16 : i32
      %get3A = arith.index_cast %mul3A_17 : i32 to index
      %get3A_18 = tpu.vector_load %arg13[%get3A] {strides = array<i32>} : memref<1280xi32, #tpu.memory_space<vmem>>, vector<16xi32>,
      %get3A_19 = arith.index_cast %mul3A_17 : i32 to index
      %get3A_20 = tpu.vector_load %arg14[%get3A_19] {strides = array<i32>} : memref<1280xi32, #tpu.memory_space<vmem>>, vector<16xi32>,
      %gather3A = tpu.vector_load_idx %arg9[%get3A_18] : memref<8192xf32, #tpu.memory_space<vmem>>[vector<16xi32>], vector<16xf32>,
      %gather3A_21 = tpu.vector_load_idx %arg9[%get3A_20] : memref<8192xf32, #tpu.memory_space<vmem>>[vector<16xi32>], vector<16xf32>,
      %sub3A = arith.subf %gather3A_21, %gather3A : vector<16xf32>
      %mul3A_22 = arith.mulf %sub3A, %sub3A : vector<16xf32>
      %add3A_23 = arith.addf %scan3A_14, %mul3A_22 : vector<16xf32>
      %gather3A_24 = tpu.vector_load_idx %arg10[%get3A_18] : memref<8192xf32, #tpu.memory_space<vmem>>[vector<16xi32>], vector<16xf32>,
      %gather3A_25 = tpu.vector_load_idx %arg10[%get3A_20] : memref<8192xf32, #tpu.memory_space<vmem>>[vector<16xi32>], vector<16xf32>,
      %sub3A_26 = arith.subf %gather3A_25, %gather3A_24 : vector<16xf32>
      %mul3A_27 = arith.mulf %sub3A_26, %sub3A_26 : vector<16xf32>
      %add3A_28 = arith.addf %scan3A_15, %mul3A_27 : vector<16xf32>
      %gather3A_29 = tpu.vector_load_idx %arg11[%get3A_18] : memref<8192xf32, #tpu.memory_space<vmem>>[vector<16xi32>], vector<16xf32>,
      %gather3A_30 = tpu.vector_load_idx %arg11[%get3A_20] : memref<8192xf32, #tpu.memory_space<vmem>>[vector<16xi32>], vector<16xf32>,
      %sub3A_31 = arith.subf %gather3A_30, %gather3A_29 : vector<16xf32>
      %mul3A_32 = arith.mulf %sub3A_31, %sub3A_31 : vector<16xf32>
      %add3A_33 = arith.addf %add3A_28, %mul3A_32 : vector<16xf32>
      %gather3A_34 = tpu.vector_load_idx %arg12[%get3A_18] : memref<8192xf32, #tpu.memory_space<vmem>>[vector<16xi32>], vector<16xf32>,
      %gather3A_35 = tpu.vector_load_idx %arg12[%get3A_20] : memref<8192xf32, #tpu.memory_space<vmem>>[vector<16xi32>], vector<16xf32>,
      %sub3A_36 = arith.subf %gather3A_35, %gather3A_34 : vector<16xf32>
      %mul3A_37 = arith.mulf %sub3A_36, %sub3A_36 : vector<16xf32>
      %add3A_38 = arith.addf %add3A_33, %mul3A_37 : vector<16xf32>
      scf.yield %add3A_23, %add3A_38 : vector<16xf32>, vector<16xf32>
    }
    %scan3A_8 = arith.constant 80 : i32
    %swap3A = arith.constant 0 : index
    %swap3A_9 = tpu.vector_load %arg15[%swap3A] {strides = array<i32>} : memref<16xf32, #tpu.memory_space<vmem>>, vector<16xf32>,
    tpu.vector_store %arg15[%swap3A], %scan3A_7#0 {strides = array<i32>} : memref<16xf32, #tpu.memory_space<vmem>>, vector<16xf32>,
    %swap3A_10 = arith.constant 0 : index
    %swap3A_11 = tpu.vector_load %arg16[%swap3A_10] {strides = array<i32>} : memref<16xf32, #tpu.memory_space<vmem>>, vector<16xf32>,
    tpu.vector_store %arg16[%swap3A_10], %scan3A_7#1 {strides = array<i32>} : memref<16xf32, #tpu.memory_space<vmem>>, vector<16xf32>,
    %run_scoped3A = arith.constant 0 : i32
    "tpu.region"() ({
      %run_scoped3A_13 = tpu.sem_alloc : memref<!tpu.dma_semaphore, #tpu.memory_space<semaphore_mem>>
      %dma_start3A = arith.constant 0 : i32
      %dma_start3A_14 = tpu.memref_slice %arg8[%add3A, %run_scoped3A, %dma_start3A] : memref<32x2x16xf32, #tpu.memory_space<hbm>> -> memref<1x1x16xf32, #tpu.memory_space<hbm>>
      %dma_start3A_15 = tpu.memref_squeeze %dma_start3A_14 : memref<1x1x16xf32, #tpu.memory_space<hbm>> -> memref<16xf32, #tpu.memory_space<hbm>>
      %dma_start3A_16 = arith.constant 0 : i32
      %dma_start3A_17 = tpu.memref_slice %arg8[%add3A, %run_scoped3A, %dma_start3A_16] : memref<32x2x16xf32, #tpu.memory_space<hbm>> -> memref<1x1x16xf32, #tpu.memory_space<hbm>>
      %dma_start3A_18 = tpu.memref_squeeze %dma_start3A_17 : memref<1x1x16xf32, #tpu.memory_space<hbm>> -> memref<16xf32, #tpu.memory_space<hbm>>
      tpu.enqueue_dma source(%arg15 : memref<16xf32, #tpu.memory_space<vmem>>) target(%dma_start3A_18 : memref<16xf32, #tpu.memory_space<hbm>>) target_semaphore(%run_scoped3A_13 : memref<!tpu.dma_semaphore, #tpu.memory_space<semaphore_mem>>)
      %dma_wait3A = arith.constant 0 : i32
      %dma_wait3A_19 = tpu.memref_slice %arg8[%add3A, %run_scoped3A, %dma_wait3A] : memref<32x2x16xf32, #tpu.memory_space<hbm>> -> memref<1x1x16xf32, #tpu.memory_space<hbm>>
      %dma_wait3A_20 = tpu.memref_squeeze %dma_wait3A_19 : memref<1x1x16xf32, #tpu.memory_space<hbm>> -> memref<16xf32, #tpu.memory_space<hbm>>
      %dma_wait3A_21 = arith.constant 0 : i32
      %dma_wait3A_22 = tpu.memref_slice %arg8[%add3A, %run_scoped3A, %dma_wait3A_21] : memref<32x2x16xf32, #tpu.memory_space<hbm>> -> memref<1x1x16xf32, #tpu.memory_space<hbm>>
      %dma_wait3A_23 = tpu.memref_squeeze %dma_wait3A_22 : memref<1x1x16xf32, #tpu.memory_space<hbm>> -> memref<16xf32, #tpu.memory_space<hbm>>
      tpu.wait_dma2 semaphore(%run_scoped3A_13 : memref<!tpu.dma_semaphore, #tpu.memory_space<semaphore_mem>>) src(%arg15 : memref<16xf32, #tpu.memory_space<vmem>>) dst(%dma_wait3A_23 : memref<16xf32, #tpu.memory_space<hbm>>)
      tpu.yield
    }) : () -> ()
    %run_scoped3A_12 = arith.constant 1 : i32
    "tpu.region"() ({
      %run_scoped3A_13 = tpu.sem_alloc : memref<!tpu.dma_semaphore, #tpu.memory_space<semaphore_mem>>
      %dma_start3A = arith.constant 0 : i32
      %dma_start3A_14 = tpu.memref_slice %arg8[%add3A, %run_scoped3A_12, %dma_start3A] : memref<32x2x16xf32, #tpu.memory_space<hbm>> -> memref<1x1x16xf32, #tpu.memory_space<hbm>>
      %dma_start3A_15 = tpu.memref_squeeze %dma_start3A_14 : memref<1x1x16xf32, #tpu.memory_space<hbm>> -> memref<16xf32, #tpu.memory_space<hbm>>
      %dma_start3A_16 = arith.constant 0 : i32
      %dma_start3A_17 = tpu.memref_slice %arg8[%add3A, %run_scoped3A_12, %dma_start3A_16] : memref<32x2x16xf32, #tpu.memory_space<hbm>> -> memref<1x1x16xf32, #tpu.memory_space<hbm>>
      %dma_start3A_18 = tpu.memref_squeeze %dma_start3A_17 : memref<1x1x16xf32, #tpu.memory_space<hbm>> -> memref<16xf32, #tpu.memory_space<hbm>>
      tpu.enqueue_dma source(%arg16 : memref<16xf32, #tpu.memory_space<vmem>>) target(%dma_start3A_18 : memref<16xf32, #tpu.memory_space<hbm>>) target_semaphore(%run_scoped3A_13 : memref<!tpu.dma_semaphore, #tpu.memory_space<semaphore_mem>>)
      %dma_wait3A = arith.constant 0 : i32
      %dma_wait3A_19 = tpu.memref_slice %arg8[%add3A, %run_scoped3A_12, %dma_wait3A] : memref<32x2x16xf32, #tpu.memory_space<hbm>> -> memref<1x1x16xf32, #tpu.memory_space<hbm>>
      %dma_wait3A_20 = tpu.memref_squeeze %dma_wait3A_19 : memref<1x1x16xf32, #tpu.memory_space<hbm>> -> memref<16xf32, #tpu.memory_space<hbm>>
      %dma_wait3A_21 = arith.constant 0 : i32
      %dma_wait3A_22 = tpu.memref_slice %arg8[%add3A, %run_scoped3A_12, %dma_wait3A_21] : memref<32x2x16xf32, #tpu.memory_space<hbm>> -> memref<1x1x16xf32, #tpu.memory_space<hbm>>
      %dma_wait3A_23 = tpu.memref_squeeze %dma_wait3A_22 : memref<1x1x16xf32, #tpu.memory_space<hbm>> -> memref<16xf32, #tpu.memory_space<hbm>>
      tpu.wait_dma2 semaphore(%run_scoped3A_13 : memref<!tpu.dma_semaphore, #tpu.memory_space<semaphore_mem>>) src(%arg16 : memref<16xf32, #tpu.memory_space<vmem>>) dst(%dma_wait3A_23 : memref<16xf32, #tpu.memory_space<hbm>>)
      tpu.yield
    }) : () -> ()
    return
  }
}

module attributes {stable_mosaic.version = 14 : i64} {
  func.func @_topk_body(%arg0: i32, %arg1: memref<512x3xf32, #tpu.memory_space<vmem>>, %arg2: memref<3x8192xf32, #tpu.memory_space<vmem>>, %arg3: memref<512x5xi32, #tpu.memory_space<vmem>>, %arg4: memref<512x8192xf32, #tpu.memory_space<vmem>>) attributes {dimension_semantics = [#tpu.dimension_semantics<arbitrary>], iteration_bounds = array<i64: 16>, scalar_prefetch = 0 : i64, scratch_operands = 1 : i64, tpu.core_type = #tpu.core_type<tc>, window_params = [{transform_indices = @transform_0, window_bounds = array<i64: 512, 3>}, {pipeline_mode = #tpu.pipeline_mode<synchronous>, transform_indices = @transform_1, window_bounds = array<i64: 3, 8192>}, {transform_indices = @transform_2, window_bounds = array<i64: 512, 5>}]} {
    %get3A = arith.constant 0 : index
    %get3A_0 = arith.constant 0 : index
    %get3A_1 = vector.load %arg1[%get3A, %get3A_0] : memref<512x3xf32, #tpu.memory_space<vmem>>, vector<512x1xf32>
    %get3A_2 = arith.constant 0 : index
    %get3A_3 = arith.constant 1 : index
    %get3A_4 = vector.load %arg1[%get3A_2, %get3A_3] : memref<512x3xf32, #tpu.memory_space<vmem>>, vector<512x1xf32>
    %get3A_5 = arith.constant 0 : index
    %get3A_6 = arith.constant 2 : index
    %get3A_7 = vector.load %arg1[%get3A_5, %get3A_6] : memref<512x3xf32, #tpu.memory_space<vmem>>, vector<512x1xf32>
    %get3A_8 = arith.constant 0 : index
    %get3A_9 = arith.constant 0 : index
    %get3A_10 = vector.load %arg2[%get3A_8, %get3A_9] : memref<3x8192xf32, #tpu.memory_space<vmem>>, vector<1x8192xf32>
    %get3A_11 = arith.constant 1 : index
    %get3A_12 = arith.constant 0 : index
    %get3A_13 = vector.load %arg2[%get3A_11, %get3A_12] : memref<3x8192xf32, #tpu.memory_space<vmem>>, vector<1x8192xf32>
    %get3A_14 = arith.constant 2 : index
    %get3A_15 = arith.constant 0 : index
    %get3A_16 = vector.load %arg2[%get3A_14, %get3A_15] : memref<3x8192xf32, #tpu.memory_space<vmem>>, vector<1x8192xf32>
    %get3A_17 = arith.constant 0 : index
    %get3A_18 = arith.constant 0 : index
    %get3A_19 = vector.load %arg1[%get3A_17, %get3A_18] : memref<512x3xf32, #tpu.memory_space<vmem>>, vector<512x3xf32>
    %convert_element_type3A = arith.truncf %get3A_19 : vector<512x3xf32> to vector<512x3xbf16>
    %get3A_20 = arith.constant 0 : index
    %get3A_21 = arith.constant 0 : index
    %get3A_22 = vector.load %arg2[%get3A_20, %get3A_21] : memref<3x8192xf32, #tpu.memory_space<vmem>>, vector<3x8192xf32>
    %convert_element_type3A_23 = arith.truncf %get3A_22 : vector<3x8192xf32> to vector<3x8192xbf16>
    %dot_general3A = arith.constant dense<0.000000e+00> : vector<512x8192xf32>
    %dot_general3A_24 = tpu.matmul %convert_element_type3A, %convert_element_type3A_23, %dot_general3A {dimension_numbers = #tpu.dot_dimension_numbers<[1], [0], [0], [1], [0, 0, 1, 1], [], []>, transpose_lhs_hint = false} : vector<512x3xbf16>, vector<3x8192xbf16>, vector<512x8192xf32> -> vector<512x8192xf32>
    %mul3A = arith.mulf %get3A_1, %get3A_1 : vector<512x1xf32>
    %mul3A_25 = arith.mulf %get3A_4, %get3A_4 : vector<512x1xf32>
    %add3A = arith.addf %mul3A, %mul3A_25 : vector<512x1xf32>
    %mul3A_26 = arith.mulf %get3A_7, %get3A_7 : vector<512x1xf32>
    %add3A_27 = arith.addf %add3A, %mul3A_26 : vector<512x1xf32>
    %mul3A_28 = arith.mulf %get3A_10, %get3A_10 : vector<1x8192xf32>
    %mul3A_29 = arith.mulf %get3A_13, %get3A_13 : vector<1x8192xf32>
    %add3A_30 = arith.addf %mul3A_28, %mul3A_29 : vector<1x8192xf32>
    %mul3A_31 = arith.mulf %get3A_16, %get3A_16 : vector<1x8192xf32>
    %add3A_32 = arith.addf %add3A_30, %mul3A_31 : vector<1x8192xf32>
    %add3A_33 = vector.broadcast %add3A_27 : vector<512x1xf32> to vector<512x8192xf32>
    %add3A_34 = vector.broadcast %add3A_32 : vector<1x8192xf32> to vector<512x8192xf32>
    %add3A_35 = arith.addf %add3A_33, %add3A_34 : vector<512x8192xf32>
    %mul3A_36 = arith.constant 2.000000e+00 : f32
    %mul3A_37 = vector.broadcast %mul3A_36 : f32 to vector<512x8192xf32>
    %mul3A_38 = arith.mulf %mul3A_37, %dot_general3A_24 : vector<512x8192xf32>
    %sub3A = arith.subf %add3A_35, %mul3A_38 : vector<512x8192xf32>
    %max3A = arith.constant 0.000000e+00 : f32
    %max3A_39 = vector.broadcast %max3A : f32 to vector<512x8192xf32>
    %max3A_40 = arith.maximumf %sub3A, %max3A_39 : vector<512x8192xf32>
    %iota3A = tpu.iota {dimensions = array<i32: 1>} : vector<512x8192xi32>
    %bitcast_convert_type3A = tpu.bitcast %max3A_40 : vector<512x8192xf32> -> vector<512x8192xi32>
    %and3A = arith.constant -8192 : i32
    %and3A_41 = vector.broadcast %and3A : i32 to vector<512x8192xi32>
    %and3A_42 = arith.andi %bitcast_convert_type3A, %and3A_41 : vector<512x8192xi32>
    %or3A = arith.ori %and3A_42, %iota3A : vector<512x8192xi32>
    %add3A_43 = arith.constant 8388608 : i32
    %add3A_44 = vector.broadcast %add3A_43 : i32 to vector<512x8192xi32>
    %add3A_45 = arith.addi %or3A, %add3A_44 : vector<512x8192xi32>
    %bitcast_convert_type3A_46 = tpu.bitcast %add3A_45 : vector<512x8192xi32> -> vector<512x8192xf32>
    %swap3A = arith.constant 0 : index
    %swap3A_47 = arith.constant 0 : index
    %swap3A_48 = vector.load %arg4[%swap3A, %swap3A_47] : memref<512x8192xf32, #tpu.memory_space<vmem>>, vector<512x8192xf32>
    tpu.vector_store %arg4[%swap3A, %swap3A_47], %bitcast_convert_type3A_46 {strides = array<i32>} : memref<512x8192xf32, #tpu.memory_space<vmem>>, vector<512x8192xf32>,
    %get3A_49 = arith.constant 0 : index
    %get3A_50 = arith.constant 0 : index
    %get3A_51 = vector.load %arg4[%get3A_49, %get3A_50] : memref<512x8192xf32, #tpu.memory_space<vmem>>, vector<512x8192xf32>
    %reduce_min3A = arith.constant dense<0x7F800000> : vector<512xf32>
    %reduce_min3A_52 = vector.multi_reduction <minimumf>, %get3A_51, %reduce_min3A [1] : vector<512x8192xf32> to vector<512xf32>
    %broadcast_in_dim3A = vector.shape_cast %reduce_min3A_52 : vector<512xf32> to vector<512x1xf32>
    %eq3A = vector.broadcast %broadcast_in_dim3A : vector<512x1xf32> to vector<512x8192xf32>
    %eq3A_53 = arith.cmpf oeq, %get3A_51, %eq3A : vector<512x8192xf32>
    %jit3A = arith.constant 1.70141183E+38 : f32
    %broadcast_in_dim3A_54 = vector.broadcast %jit3A : f32 to vector<512x8192xf32>
    %select_n3A = arith.select %eq3A_53, %broadcast_in_dim3A_54, %get3A_51 : vector<512x8192xi1>, vector<512x8192xf32>
    %swap3A_55 = arith.constant 0 : index
    %swap3A_56 = arith.constant 0 : index
    %swap3A_57 = vector.load %arg4[%swap3A_55, %swap3A_56] : memref<512x8192xf32, #tpu.memory_space<vmem>>, vector<512x8192xf32>
    tpu.vector_store %arg4[%swap3A_55, %swap3A_56], %select_n3A {strides = array<i32>} : memref<512x8192xf32, #tpu.memory_space<vmem>>, vector<512x8192xf32>,
    %get3A_58 = arith.constant 0 : index
    %get3A_59 = arith.constant 0 : index
    %get3A_60 = vector.load %arg4[%get3A_58, %get3A_59] : memref<512x8192xf32, #tpu.memory_space<vmem>>, vector<512x8192xf32>
    %reduce_min3A_61 = arith.constant dense<0x7F800000> : vector<512xf32>
    %reduce_min3A_62 = vector.multi_reduction <minimumf>, %get3A_60, %reduce_min3A_61 [1] : vector<512x8192xf32> to vector<512xf32>
    %broadcast_in_dim3A_63 = vector.shape_cast %reduce_min3A_62 : vector<512xf32> to vector<512x1xf32>
    %bitcast_convert_type3A_64 = tpu.bitcast %broadcast_in_dim3A_63 : vector<512x1xf32> -> vector<512x1xi32>
    %and3A_65 = arith.constant 8191 : i32
    %and3A_66 = vector.broadcast %and3A_65 : i32 to vector<512x1xi32>
    %and3A_67 = arith.andi %bitcast_convert_type3A_64, %and3A_66 : vector<512x1xi32>
    %swap3A_68 = arith.constant 0 : index
    %swap3A_69 = arith.constant 0 : index
    %swap3A_70 = vector.load %arg3[%swap3A_68, %swap3A_69] : memref<512x5xi32, #tpu.memory_space<vmem>>, vector<512x1xi32>
    tpu.vector_store %arg3[%swap3A_68, %swap3A_69], %and3A_67 {strides = array<i32>} : memref<512x5xi32, #tpu.memory_space<vmem>>, vector<512x1xi32>,
    %eq3A_71 = vector.broadcast %broadcast_in_dim3A_63 : vector<512x1xf32> to vector<512x8192xf32>
    %eq3A_72 = arith.cmpf oeq, %get3A_60, %eq3A_71 : vector<512x8192xf32>
    %jit3A_73 = arith.constant 1.70141183E+38 : f32
    %broadcast_in_dim3A_74 = vector.broadcast %jit3A_73 : f32 to vector<512x8192xf32>
    %select_n3A_75 = arith.select %eq3A_72, %broadcast_in_dim3A_74, %get3A_60 : vector<512x8192xi1>, vector<512x8192xf32>
    %swap3A_76 = arith.constant 0 : index
    %swap3A_77 = arith.constant 0 : index
    %swap3A_78 = vector.load %arg4[%swap3A_76, %swap3A_77] : memref<512x8192xf32, #tpu.memory_space<vmem>>, vector<512x8192xf32>
    tpu.vector_store %arg4[%swap3A_76, %swap3A_77], %select_n3A_75 {strides = array<i32>} : memref<512x8192xf32, #tpu.memory_space<vmem>>, vector<512x8192xf32>,
    %get3A_79 = arith.constant 0 : index
    %get3A_80 = arith.constant 0 : index
    %get3A_81 = vector.load %arg4[%get3A_79, %get3A_80] : memref<512x8192xf32, #tpu.memory_space<vmem>>, vector<512x8192xf32>
    %reduce_min3A_82 = arith.constant dense<0x7F800000> : vector<512xf32>
    %reduce_min3A_83 = vector.multi_reduction <minimumf>, %get3A_81, %reduce_min3A_82 [1] : vector<512x8192xf32> to vector<512xf32>
    %broadcast_in_dim3A_84 = vector.shape_cast %reduce_min3A_83 : vector<512xf32> to vector<512x1xf32>
    %bitcast_convert_type3A_85 = tpu.bitcast %broadcast_in_dim3A_84 : vector<512x1xf32> -> vector<512x1xi32>
    %and3A_86 = arith.constant 8191 : i32
    %and3A_87 = vector.broadcast %and3A_86 : i32 to vector<512x1xi32>
    %and3A_88 = arith.andi %bitcast_convert_type3A_85, %and3A_87 : vector<512x1xi32>
    %swap3A_89 = arith.constant 0 : index
    %swap3A_90 = arith.constant 1 : index
    %swap3A_91 = vector.load %arg3[%swap3A_89, %swap3A_90] : memref<512x5xi32, #tpu.memory_space<vmem>>, vector<512x1xi32>
    tpu.vector_store %arg3[%swap3A_89, %swap3A_90], %and3A_88 {strides = array<i32>} : memref<512x5xi32, #tpu.memory_space<vmem>>, vector<512x1xi32>,
    %eq3A_92 = vector.broadcast %broadcast_in_dim3A_84 : vector<512x1xf32> to vector<512x8192xf32>
    %eq3A_93 = arith.cmpf oeq, %get3A_81, %eq3A_92 : vector<512x8192xf32>
    %jit3A_94 = arith.constant 1.70141183E+38 : f32
    %broadcast_in_dim3A_95 = vector.broadcast %jit3A_94 : f32 to vector<512x8192xf32>
    %select_n3A_96 = arith.select %eq3A_93, %broadcast_in_dim3A_95, %get3A_81 : vector<512x8192xi1>, vector<512x8192xf32>
    %swap3A_97 = arith.constant 0 : index
    %swap3A_98 = arith.constant 0 : index
    %swap3A_99 = vector.load %arg4[%swap3A_97, %swap3A_98] : memref<512x8192xf32, #tpu.memory_space<vmem>>, vector<512x8192xf32>
    tpu.vector_store %arg4[%swap3A_97, %swap3A_98], %select_n3A_96 {strides = array<i32>} : memref<512x8192xf32, #tpu.memory_space<vmem>>, vector<512x8192xf32>,
    %get3A_100 = arith.constant 0 : index
    %get3A_101 = arith.constant 0 : index
    %get3A_102 = vector.load %arg4[%get3A_100, %get3A_101] : memref<512x8192xf32, #tpu.memory_space<vmem>>, vector<512x8192xf32>
    %reduce_min3A_103 = arith.constant dense<0x7F800000> : vector<512xf32>
    %reduce_min3A_104 = vector.multi_reduction <minimumf>, %get3A_102, %reduce_min3A_103 [1] : vector<512x8192xf32> to vector<512xf32>
    %broadcast_in_dim3A_105 = vector.shape_cast %reduce_min3A_104 : vector<512xf32> to vector<512x1xf32>
    %bitcast_convert_type3A_106 = tpu.bitcast %broadcast_in_dim3A_105 : vector<512x1xf32> -> vector<512x1xi32>
    %and3A_107 = arith.constant 8191 : i32
    %and3A_108 = vector.broadcast %and3A_107 : i32 to vector<512x1xi32>
    %and3A_109 = arith.andi %bitcast_convert_type3A_106, %and3A_108 : vector<512x1xi32>
    %swap3A_110 = arith.constant 0 : index
    %swap3A_111 = arith.constant 2 : index
    %swap3A_112 = vector.load %arg3[%swap3A_110, %swap3A_111] : memref<512x5xi32, #tpu.memory_space<vmem>>, vector<512x1xi32>
    tpu.vector_store %arg3[%swap3A_110, %swap3A_111], %and3A_109 {strides = array<i32>} : memref<512x5xi32, #tpu.memory_space<vmem>>, vector<512x1xi32>,
    %eq3A_113 = vector.broadcast %broadcast_in_dim3A_105 : vector<512x1xf32> to vector<512x8192xf32>
    %eq3A_114 = arith.cmpf oeq, %get3A_102, %eq3A_113 : vector<512x8192xf32>
    %jit3A_115 = arith.constant 1.70141183E+38 : f32
    %broadcast_in_dim3A_116 = vector.broadcast %jit3A_115 : f32 to vector<512x8192xf32>
    %select_n3A_117 = arith.select %eq3A_114, %broadcast_in_dim3A_116, %get3A_102 : vector<512x8192xi1>, vector<512x8192xf32>
    %swap3A_118 = arith.constant 0 : index
    %swap3A_119 = arith.constant 0 : index
    %swap3A_120 = vector.load %arg4[%swap3A_118, %swap3A_119] : memref<512x8192xf32, #tpu.memory_space<vmem>>, vector<512x8192xf32>
    tpu.vector_store %arg4[%swap3A_118, %swap3A_119], %select_n3A_117 {strides = array<i32>} : memref<512x8192xf32, #tpu.memory_space<vmem>>, vector<512x8192xf32>,
    %get3A_121 = arith.constant 0 : index
    %get3A_122 = arith.constant 0 : index
    %get3A_123 = vector.load %arg4[%get3A_121, %get3A_122] : memref<512x8192xf32, #tpu.memory_space<vmem>>, vector<512x8192xf32>
    %reduce_min3A_124 = arith.constant dense<0x7F800000> : vector<512xf32>
    %reduce_min3A_125 = vector.multi_reduction <minimumf>, %get3A_123, %reduce_min3A_124 [1] : vector<512x8192xf32> to vector<512xf32>
    %broadcast_in_dim3A_126 = vector.shape_cast %reduce_min3A_125 : vector<512xf32> to vector<512x1xf32>
    %bitcast_convert_type3A_127 = tpu.bitcast %broadcast_in_dim3A_126 : vector<512x1xf32> -> vector<512x1xi32>
    %and3A_128 = arith.constant 8191 : i32
    %and3A_129 = vector.broadcast %and3A_128 : i32 to vector<512x1xi32>
    %and3A_130 = arith.andi %bitcast_convert_type3A_127, %and3A_129 : vector<512x1xi32>
    %swap3A_131 = arith.constant 0 : index
    %swap3A_132 = arith.constant 3 : index
    %swap3A_133 = vector.load %arg3[%swap3A_131, %swap3A_132] : memref<512x5xi32, #tpu.memory_space<vmem>>, vector<512x1xi32>
    tpu.vector_store %arg3[%swap3A_131, %swap3A_132], %and3A_130 {strides = array<i32>} : memref<512x5xi32, #tpu.memory_space<vmem>>, vector<512x1xi32>,
    %eq3A_134 = vector.broadcast %broadcast_in_dim3A_126 : vector<512x1xf32> to vector<512x8192xf32>
    %eq3A_135 = arith.cmpf oeq, %get3A_123, %eq3A_134 : vector<512x8192xf32>
    %jit3A_136 = arith.constant 1.70141183E+38 : f32
    %broadcast_in_dim3A_137 = vector.broadcast %jit3A_136 : f32 to vector<512x8192xf32>
    %select_n3A_138 = arith.select %eq3A_135, %broadcast_in_dim3A_137, %get3A_123 : vector<512x8192xi1>, vector<512x8192xf32>
    %swap3A_139 = arith.constant 0 : index
    %swap3A_140 = arith.constant 0 : index
    %swap3A_141 = vector.load %arg4[%swap3A_139, %swap3A_140] : memref<512x8192xf32, #tpu.memory_space<vmem>>, vector<512x8192xf32>
    tpu.vector_store %arg4[%swap3A_139, %swap3A_140], %select_n3A_138 {strides = array<i32>} : memref<512x8192xf32, #tpu.memory_space<vmem>>, vector<512x8192xf32>,
    %get3A_142 = arith.constant 0 : index
    %get3A_143 = arith.constant 0 : index
    %get3A_144 = vector.load %arg4[%get3A_142, %get3A_143] : memref<512x8192xf32, #tpu.memory_space<vmem>>, vector<512x8192xf32>
    %reduce_min3A_145 = arith.constant dense<0x7F800000> : vector<512xf32>
    %reduce_min3A_146 = vector.multi_reduction <minimumf>, %get3A_144, %reduce_min3A_145 [1] : vector<512x8192xf32> to vector<512xf32>
    %broadcast_in_dim3A_147 = vector.shape_cast %reduce_min3A_146 : vector<512xf32> to vector<512x1xf32>
    %bitcast_convert_type3A_148 = tpu.bitcast %broadcast_in_dim3A_147 : vector<512x1xf32> -> vector<512x1xi32>
    %and3A_149 = arith.constant 8191 : i32
    %and3A_150 = vector.broadcast %and3A_149 : i32 to vector<512x1xi32>
    %and3A_151 = arith.andi %bitcast_convert_type3A_148, %and3A_150 : vector<512x1xi32>
    %swap3A_152 = arith.constant 0 : index
    %swap3A_153 = arith.constant 4 : index
    %swap3A_154 = vector.load %arg3[%swap3A_152, %swap3A_153] : memref<512x5xi32, #tpu.memory_space<vmem>>, vector<512x1xi32>
    tpu.vector_store %arg3[%swap3A_152, %swap3A_153], %and3A_151 {strides = array<i32>} : memref<512x5xi32, #tpu.memory_space<vmem>>, vector<512x1xi32>,
    return
  }
  func.func @transform_0(%arg0: i32) -> (i32, i32) {
    %c0_i32 = arith.constant 0 : i32
    %c0_i32_0 = arith.constant 0 : i32
    return %arg0, %c0_i32 : i32, i32
  }
  func.func @transform_1(%arg0: i32) -> (i32, i32) {
    %c0_i32 = arith.constant 0 : i32
    %c0_i32_0 = arith.constant 0 : i32
    %c0_i32_1 = arith.constant 0 : i32
    return %c0_i32, %c0_i32_0 : i32, i32
  }
  func.func @transform_2(%arg0: i32) -> (i32, i32) {
    %c0_i32 = arith.constant 0 : i32
    %c0_i32_0 = arith.constant 0 : i32
    return %arg0, %c0_i32 : i32, i32
  }
}

</mosaic_0001>

<sc_bundles>
// kernel: kernel.4.cloned.1.call-start
scs
__scs_entry_jumppad:
0x0: {  	(pc) =	sbr.rel $0x88, $3  }
0x1: {  	(tag) =	ssettag $0x0;
	lr =	simm.s32 $0x1  }
0x2: {  	[smem:$0x3F9E] =	sst lr;
	_ =	strace $0xD0000000  }
0x3: {  	_ = 	snop  }
0x4: {  	_ = 	snop  }
0x5: {  	_ = 	snop  }
0x6: {  	_ = 	snop  }
0x7: {  	_ = 	snop  }
__scs_overlays_trampoline_lowered:
0x8: {  	[smem:$0x3FAD] =	sst s0  }
0x9: {  	[smem:$0x3FAE] =	sst s1  }
0xa: {  	[smem:$0x3FAF] =	sst s2  }
0xb: {  	[smem:$0x3FB0] =	sst s3  }
0xc: {  	[smem:$0x3FB1] =	sst s4  }
0xd: {  	[smem:$0x3FB2] =	sst s5  }
0xe: {  	[smem:$0x3FB3] =	sst s6  }
0xf: {  	[smem:$0x3FB4] =	sst s7  }
0x10: {  	[smem:$0x3FB5] =	sst s8  }
0x11: {  	[smem:$0x3FB6] =	sst s9;
	s0 =	simm.s32 @!p0 $0x0  }
0x12: {  	s1 =	sld [smem:$0x3F9C];
	s0 =	simm.s32 @p0 $0x1  }
0x13: {  	[smem:$0x3FB7] =	sst s0;
	s0 =	simm.s32 @!p1 $0x0  }
0x14: {  	s2 =	sld [smem:$0x3F9B];
	s0 =	simm.s32 @p1 $0x1  }
0x15: {  	[smem:$0x3FB8] =	sst s0;
	s0 =	simm.s32 @!p2 $0x0  }
0x16: {  	s3 =	sld [smem:$0x3FDB];
	s0 =	simm.s32 @p2 $0x1  }
0x17: {  	s4 =	simm.s32 $0x1BF5;
	[smem:$0x3FBA] =	sst s0  }
0x18: {  	s0 =	sld [smem:$0x3F9D];
	_ =	swait.ge [sflag:s4], $0x0  }
0x19: {  	s7 =	sld [smem:$0x3F9E]  }
0x1a: {  	s8 =	sadd.s32 $0xFFFFE003, lr  }
0x1b: {  	s9 =	sadd.s32 $0xFFFFFEF7, lr;
	s5 =	simm.s32 $0xFFFFFFFF;
	p2 =	slt.u32 s8, $0xFFFFF086  }
0x1c: {  	p1 =	slt.u32 s9, $0xF7A;
	s5 =	simm.s32 @!p2 $0x0  }
0x1d: {  	s5 =	simm.s32 @p1 $0x1;
	p0 =	seq.s32 s7, s2  }
0x1e: {  	s7 =	smul.u32 @!p0 $0xF7A, s2;
	p2 =	seq.s32 @!p0 s5, $0x0  }
0x1f: {  	s9 =	smul.u32 $0xF7A, s1;
	s8 =	simm.s32 @!p0 $0x1BF5;
	p2 =	por !p2, p0  }
0x20: {  	[sflag:s8] =	ssyncset.s32 @!p0 $0xFFFFF086;
	s6 =	sadd.s32 @!p0 s3, s7;
	s7 =	simm.s32 @!p0 $0x108  }
0x21: {  	s3 =	sadd.s32 s3, s9;
	s6 =	sadd.s32 @!p0 $0x88, s6;
	s7 =	simm.s32 @p2 $0x1082  }
0x22: {  	[simem:s7], [sflag:s8] =	dma.local @!p0 [hbm:s6], $0xF7A  }
0x23: {  	s9 =	sor.u32 $0xD0000000, s2;
	s6 =	simm.s32 $0x108;
	_ =	swait.ge @!p0 [sflag:s8], $0x0  }
0x24: {  	s3 =	sadd.s32 $0x88, s3;
	s6 =	simm.s32 @!p1 $0x1082;
	[sflag:s4] =	ssyncset.s32 $0xFFFFF086  }
0x25: {  	[simem:s6], [sflag:s4] =	dma.local [hbm:s3], $0xF7A  }
0x26: {  	[smem:$0x3F9E] =	sst s1;
	(tag) =	ssettag s2;
	_ =	strace s9  }
0x27: {  	s1 =	sld [smem:$0x3FAE]  }
0x28: {  	s2 =	sld [smem:$0x3FAF]  }
0x29: {  	s4 =	sld [smem:$0x3FB1]  }
0x2a: {  	p0 =	seq.s32 s5, $0x0;
	s5 =	sld [smem:$0x3FB2]  }
0x2b: {  	s6 =	sld [smem:$0x3FB3]  }
0x2c: {  	s7 =	sld [smem:$0x3FB4]  }
0x2d: {  	s3 =	simm.s32 $0x108;
	s8 =	sld [smem:$0x3FB5]  }
0x2e: {  	s3 =	simm.s32 @!p0 $0x1082;
	s9 =	sld [smem:$0x3FB6]  }
0x2f: {  	lr =	sadd.s32 s0, s3;
	s0 =	sld [smem:$0x3FAD]  }
0x30: {  	s3 =	sld [smem:$0x3FB0]  }
0x31: {  	[smem:$0x3FB9] =	sst s10  }
0x32: {  	s10 =	sld [smem:$0x3FB7];
	_ =	sdelay $0x3  }
0x33: {  	p0 =	seq.s32 s10, $0x1;
	s10 =	sld [smem:$0x3FB9];
	_ =	sdelay $0x3  }
0x34: {  	[smem:$0x3FB9] =	sst s10  }
0x35: {  	s10 =	sld [smem:$0x3FB8];
	_ =	sdelay $0x3  }
0x36: {  	p1 =	seq.s32 s10, $0x1;
	s10 =	sld [smem:$0x3FB9];
	_ =	sdelay $0x3  }
0x37: {  	[smem:$0x3FB9] =	sst s10  }
0x38: {  	s10 =	sld [smem:$0x3FBA]  }
0x39: {  	_ = 	snop;
	(pc) =	sbr.ind lr, $3  }
0x3a: {  	_ = 	snop  }
0x3b: {  	_ = 	snop  }
0x3c: {  	p2 =	seq.s32 s10, $0x1;
	s10 =	sld [smem:$0x3FB9]  }
0x3d: {  	_ =	shalt  }
0x3e: {  	_ =	shalt  }
0x3f: {  	_ =	shalt  }
0x40: {  	_ =	shalt  }
0x41: {  	_ =	shalt  }
0x42: {  	_ =	shalt  }
0x43: {  	_ =	shalt  }
0x44: {  	_ =	shalt  }
0x45: {  	_ =	shalt  }
0x46: {  	_ =	shalt  }
0x47: {  	_ =	shalt  }
0x48: {  	_ =	shalt  }
0x49: {  	_ =	shalt  }
0x4a: {  	_ =	shalt  }
0x4b: {  	_ =	shalt  }
0x4c: {  	_ =	shalt  }
0x4d: {  	_ =	shalt  }
0x4e: {  	_ =	shalt  }
0x4f: {  	_ =	shalt  }
0x50: {  	_ =	shalt  }
0x51: {  	_ =	shalt  }
0x52: {  	_ =	shalt  }
0x53: {  	_ =	shalt  }
0x54: {  	_ =	shalt  }
0x55: {  	_ =	shalt  }
0x56: {  	_ =	shalt  }
0x57: {  	_ =	shalt  }
0x58: {  	_ =	shalt  }
0x59: {  	_ =	shalt  }
0x5a: {  	_ =	shalt  }
0x5b: {  	_ =	shalt  }
0x5c: {  	_ =	shalt  }
0x5d: {  	_ =	shalt  }
0x5e: {  	_ =	shalt  }
0x5f: {  	_ =	shalt  }
0x60: {  	_ =	shalt  }
0x61: {  	_ =	shalt  }
0x62: {  	_ =	shalt  }
0x63: {  	_ =	shalt  }
0x64: {  	_ =	shalt  }
0x65: {  	_ =	shalt  }
0x66: {  	_ =	shalt  }
0x67: {  	_ =	shalt  }
0x68: {  	_ =	shalt  }
0x69: {  	_ =	shalt  }
0x6a: {  	_ =	shalt  }
0x6b: {  	_ =	shalt  }
0x6c: {  	_ =	shalt  }
0x6d: {  	_ =	shalt  }
0x6e: {  	_ =	shalt  }
0x6f: {  	_ =	shalt  }
0x70: {  	_ =	shalt  }
0x71: {  	_ =	shalt  }
0x72: {  	_ =	shalt  }
0x73: {  	_ =	shalt  }
0x74: {  	_ =	shalt  }
0x75: {  	_ =	shalt  }
0x76: {  	_ =	shalt  }
0x77: {  	_ =	shalt  }
0x78: {  	_ =	shalt  }
0x79: {  	_ =	shalt  }
0x7a: {  	_ =	shalt  }
0x7b: {  	_ =	shalt  }
0x7c: {  	_ =	shalt  }
0x7d: {  	_ =	shalt  }
0x7e: {  	_ =	shalt  }
0x7f: {  	_ =	shalt  }
0x80: {  	_ =	shalt  }
0x81: {  	_ =	shalt  }
0x82: {  	_ =	shalt  }
0x83: {  	_ =	shalt  }
0x84: {  	_ =	shalt  }
0x85: {  	_ =	shalt  }
0x86: {  	_ =	shalt  }
0x87: {  	_ =	shalt  }
.Lfunc_end0:
.L_simem_size_0:
called_computation_lowered:
.L_overlay_start_0:
0x88: {  	s2 =	sld [smem:$0x3FD9]  }
0x89: {  	s3 =	sld [smem:$0x3FFE];
	_ =	sdelay $0x1  }
0x8a: {  	s1 =	srdreg.scid  }
0x8b: {  	s0 =	sand.u32 $0x1, s1  }
0x8c: {  	s17 =	sshll.u32 s0, $0xA;
	s2 =	sadd.s32 s3, s2  }
0x8d: {  	s2 =	sadd.s32 s2, s17  }
0x8e: {  	[smem:$0x3FC5] =	sst s2  }
0x8f: {  	_ = 	snop  }
0x90: {  	s2 =	sld [smem:$0x3FC8];
	(tm) =	ssettm $0x1  }
0x91: {  	s18 =	sld [smem:$0x3FFB];
	_ =	sdelay $0x3  }
0x92: {  	_ =	strace s18  }
0x93: {  	s3 =	sld [smem:$0x3FFC];
	_ =	sdelay $0x3  }
0x94: {  	_ =	strace s3  }
0x95: {  	s3 =	sld [smem:$0x3FFD];
	_ =	sdelay $0x3  }
0x96: {  	_ =	strace s3  }
0x97: {  	_ =	strace $0x8FFFFFFF  }
0x98: {  	s19 =	sld [smem:$0x3FDB];
	_ =	sdelay $0x1  }
0x99: {  	s4 =	simm.s32 $_scs_section_size  }
0x9a: {  	s5 =	simm.s32 $_size__tile_overlayer_lowered;
	s6 =	simm.s32 $_tile_overlayer_lowered  }
0x9b: {  	s22 =	simm.s32 $0x1BFF;
	s21 =	sshll.u32 s6, $0x1;
	s3 =	sadd.s32 s4, s19  }
0x9c: {  	s7 =	simm.s32 $0x0;
	s20 =	sshll.u32 s5, $0x1;
	s5 =	sadd.s32 s21, s3  }
0x9d: {  	[timem:s7], [sflag:s22] =	dma.local [hbm:s5], s20  }
0x9e: {  	_ =	swait.ge [sflag:s22], s20  }
0x9f: {  	s4 =	ssub.s32 $0x0, s20;
	[sflag:s22] =	ssyncset.done $0x0  }
0xa0: {  	[sflag:s22] =	ssyncadd.s32 s4;
	_ =	sdelay $0x1  }
0xa1: {  	s23 =	simm.s32 $0x1B8B  }
0xa2: {  	_ =	swait.ge [sflag:s23], $0x1  }
0xa3: {  	[sflag:s23] =	ssyncset.done $0x0  }
0xa4: {  	s25 =	simm.s32 $0x1B8E;
	s24 =	sld [smem:$0x3FFE];
	[sflag:s23] =	ssyncadd.s32 $0xFFFFFFFF  }
0xa5: {  	s26 =	simm.s32 $execute0_lowered;
	[smem:$0x3FD2] =	sst s25  }
0xa6: {  	s5 =	sshll.u32 s26, $0x1;
	_ =	strace $0x80000046;
	[dreg:$0x1] =	wrdreg $0xFFFFFFFF  }
0xa7: {  	s28 =	simm.s32 $_size_execute0_lowered;
	s3 =	sadd.s32 s3, s5;
	[dreg:$0x0] =	wrdreg $0x0  }
0xa8: {  	s5 =	sshll.u32 s28, $0x1;
	[dreg:$0x2] =	wrdreg s3  }
0xa9: {  	[dreg:$0x3] =	wrdreg s5  }
0xaa: {  	[dreg:$0x4] =	wrdreg $0xC0  }
0xab: {  	_ =	task [dreg:s7], $0x5FFFF  }
0xac: {  	[dreg:$0x1] =	wrdreg $0xFFFFFFFF  }
0xad: {  	[dreg:$0x0] =	wrdreg $0x60  }
0xae: {  	[dreg:$0x2] =	wrdreg s2  }
0xaf: {  	[dreg:$0x3] =	wrdreg s24  }
0xb0: {  	[dreg:$0x4] =	wrdreg $0x9  }
0xb1: {  	_ =	task.clear_ibuf [dreg:s7], $0x5FFFF;
	_ =	strace $0x90000046  }
0xb2: {  	s29 =	simm.s32 $0x9;
	_ =	strace $0x80000048  }
0xb3: {  	_ =	swait.ge [sflag:s29], $0x1  }
0xb4: {  	[sflag:s29] =	ssyncadd.s32 $0xFFFFFFFF  }
0xb5: {  	_ =	strace $0x90000048  }
0xb6: {  	_ =	sfence  }
0xb7: {  	s30 =	sld [smem:$0x0];
	_ =	sdelay $0x2  }
0xb8: {  	s31 =	sshll.u32 s1, $0xD;
	s1 =	sshrl.u32 s1, $0x2  }
0xb9: {  	s3 =	sand.u32 $0x4000, s31;
	s1 =	sadd.s32 s1, s30  }
0xba: {  	s0 =	sor.u32 s3, s0;
	s1 =	sshll.u32 s1, $0x11  }
0xbb: {  	s0 =	sor.u32 s1, s0  }
0xbc: {  	s0 =	sadd.s32 $0x8F2B, s0  }
0xbd: {  	[sflag:s0] =	ssyncadd.remote.s32 $0x1  }
0xbe: {  	_ =	sfence.sel $0xFFFF  }
0xbf: {  	[dreg:$0x0] =	wrdreg $0xFFFFFFFF;
	(pc) =	sbr.abs _section_cstart, $3  }
0xc0: {  	[dreg:$0x1] =	wrdreg $0xFFFFFFFF  }
0xc1: {  	_ =	task.clear_ibuf [dreg:s7], $0x2FFFF;
	_ =	strace $0x9FFFFFFF  }
0xc2: {  	(tm) =	ssettm $0x7FFFFFFF  }
0xc3: {  	_ =	shalt  }
tec
execute0_lowered:
.L_overlay_start_1:
0x0: {  	(tag) =	ssettag $0x1  }
0x1: {  	s2 =	rddreg [dreg:$0x0]  }
0x2: {  	s3 =	rddreg [dreg:$0x1]  }
0x3: {  	s0 =	rddreg [dreg:$0x2];
	s5 =	srdreg.scid  }
0x4: {  	s1 =	stileid.u32;
	s4 =	simm.s32 $0x0;
	s12 =	simm.s32 $0x1  }
0x5: {  	s13 =	simm.s32 $0x2000;
	s14 =	simm.s32 $0x4000;
	s15 =	simm.s32 $0x6000  }
0x6: {  	s16 =	simm.s32 $0x8000;
	s17 =	simm.s32 $0x8500;
	s18 =	simm.s32 $0x8A00  }
0x7: {  	s19 =	simm.s32 $0x8A80;
	s7 =	sand.u32 $0x1, s5;
	s30 =	sshll.u32 s1, $0x1  }
0x8: {  	s20 =	simm.s32 $0x0;
	[smem:$0x7FF] =	sst s4;
	s8 =	sor.u32 s7, s30  }
0x9: {  	s5 =	sadd.s32 $0x800, s3;
	s7 =	ssub.s32 $0x2, s7;
	s9 =	smul.u32 $0xA0, s8  }
0xa: {  	s6 =	sadd.s32 $0x400, s3;
	_ =	strace $0x80000047;
	s31 =	sshrl.u32 s7, $0x1  }
0xb: {  	s8 =	sshll.u32 s8, $0x5;
	s11 =	ssub.s32 s7, s31;
	s9 =	sadd.s32 s9, s3  }
0xc: {  	s10 =	sadd.s32 s8, s3;
	s11 =	smax.u32 s11, $0x1;
	s7 =	sadd.s32 $0xC00, s9  }
0xd: {  	s8 =	sadd.s32 $0x2000, s9;
	s9 =	sadd.s32 $0x3400, s10;
	s10 =	sadd.s32 $0x3410, s10  }
.LBB2_1:
0xe: {  	[tilespmem:s4], [sflag:$0x1] =	stream.linear.gather [hbm4b:s2+s4], $0x2000, $0x38;
	[tilespmem:$0x8B00] =	vst v63  }
0xf: {  	_ =	swait.ge [sflag:s12], $0x2000  }
0x10: {  	[sflag:s12] =	ssyncset.done $0x0  }
0x11: {  	[sflag:s12] =	ssyncadd.s32 $0xFFFFE000  }
0x12: {  	[tilespmem:s13], [sflag:$0x1] =	stream.linear.gather [hbm4b:s5+s4], $0x2000, $0x38;
	[tilespmem:$0x8B00] =	vst v63  }
0x13: {  	_ =	swait.ge [sflag:s12], $0x2000  }
0x14: {  	[sflag:s12] =	ssyncset.done $0x0  }
0x15: {  	[sflag:s12] =	ssyncadd.s32 $0xFFFFE000  }
0x16: {  	[tilespmem:s14], [sflag:$0x1] =	stream.linear.gather [hbm4b:s6+s4], $0x2000, $0x38;
	[tilespmem:$0x8B00] =	vst v63  }
0x17: {  	_ =	swait.ge [sflag:s12], $0x2000  }
0x18: {  	[sflag:s12] =	ssyncset.done $0x0  }
0x19: {  	[sflag:s12] =	ssyncadd.s32 $0xFFFFE000  }
0x1a: {  	[tilespmem:s15], [sflag:$0x1] =	stream.linear.gather [hbm4b:s3+s4], $0x2000, $0x38;
	[tilespmem:$0x8B00] =	vst v63  }
0x1b: {  	_ =	swait.ge [sflag:s12], $0x2000  }
0x1c: {  	[sflag:s12] =	ssyncset.done $0x0  }
0x1d: {  	[sflag:s12] =	ssyncadd.s32 $0xFFFFE000  }
0x1e: {  	[tilespmem:s16], [sflag:$0x1] =	stream.linear.gather [hbm4b:s7+s4], $0x500, $0x38;
	[tilespmem:$0x8B00] =	vst v63  }
0x1f: {  	_ =	swait.ge [sflag:s12], $0x500  }
0x20: {  	[sflag:s12] =	ssyncset.done $0x0  }
0x21: {  	[sflag:s12] =	ssyncadd.s32 $0xFFFFFB00  }
0x22: {  	[tilespmem:s17], [sflag:$0x1] =	stream.linear.gather [hbm4b:s8+s4], $0x500, $0x38;
	[tilespmem:$0x8B00] =	vst v63  }
0x23: {  	_ =	swait.ge [sflag:s12], $0x500  }
0x24: {  	[sflag:s12] =	ssyncset.done $0x0  }
0x25: {  	s21 =	simm.s32 $0x0;
	[sflag:s12] =	ssyncadd.s32 $0xFFFFFB00  }
0x26: {  	v0 =	vld [tilespmem:s21+$0x8000]  }
0x27: {  	v1 =	vld [tilespmem:s21+$0x8500];
	_ =	sdelay $0x3  }
0x28: {  	s30 =	simm.s32 $0x10  }
0x29: {  	v2 =	vld [tilespmem:s30+$0x8000]  }
0x2a: {  	v3 =	vld [tilespmem:s30+$0x8500]  }
0x2b: {  	v4 =	vld.idx.msk [tilespmem:v0+s4+$0x0], $0xffff  }
0x2c: {  	v5 =	vld.idx.msk [tilespmem:v1+s4+$0x0], $0xffff  }
0x2d: {  	v7 =	vld.idx.msk [tilespmem:v0+s13+$0x0], $0xffff  }
0x2e: {  	v8 =	vld.idx.msk [tilespmem:v1+s13+$0x0], $0xffff  }
0x2f: {  	v9 =	vld.idx.msk [tilespmem:v0+s14+$0x0], $0xffff  }
0x30: {  	v10 =	vld.idx.msk [tilespmem:v1+s14+$0x0], $0xffff  }
0x31: {  	v12 =	vld.idx.msk [tilespmem:v0+s15+$0x0], $0xffff  }
0x32: {  	v13 =	vld.idx.msk [tilespmem:v1+s15+$0x0], $0xffff  }
0x33: {  	v1 =	vld.idx.msk [tilespmem:v2+s4+$0x0], $0xffff  }
0x34: {  	s31 =	simm.s32 $0x20;
	v6 =	vld.idx.msk [tilespmem:v3+s4+$0x0], $0xffff;
	v0 =	vsub.f32 v5, v4;
	v7 =	vsub.f32 v8, v7  }
0x35: {  	v4 =	vld [tilespmem:s31+$0x8000]  }
0x36: {  	v5 =	vld [tilespmem:s31+$0x8500];
	v9 =	vsub.f32 v10, v9;
	v0 =	vmul.f32 v0, v0;
	v14 =	vmul.f32 v7, v7  }
0x37: {  	v11 =	vimm.f32 $0.0e+00;
	v8 =	vld.idx.msk [tilespmem:v3+s13+$0x0], $0xffff;
	v12 =	vsub.f32 v13, v12  }
0x38: {  	v7 =	vld.idx.msk [tilespmem:v2+s13+$0x0], $0xffff;
	v0 =	vadd.f32 v0, v11;
	v10 =	vadd.f32 v14, v11;
	v11 =	vmul.f32 v9, v9  }
0x39: {  	s21 =	simm.s32 $0xC0;
	v9 =	vld.idx.msk [tilespmem:v2+s14+$0x0], $0xffff  }
.LBB2_2:
0x3a: {  	p0 =	sne.s32 s21, $0x13C0;
	v1 =	vsub.f32 v6, v1;
	v13 =	vld.idx.msk [tilespmem:v3+s14+$0x0], $0xffff;
	v6 =	vadd.f32 v11, v10;
	v10 =	vmul.f32 v12, v12  }
0x3b: {  	v12 =	vld.idx.msk [tilespmem:v2+s15+$0x0], $0xffff;
	v2 =	vmov v4  }
0x3c: {  	v11 =	vmul.f32 v1, v1;
	v14 =	vld.idx.msk [tilespmem:v3+s15+$0x0], $0xffff;
	v10 =	vadd.f32 v10, v6;
	v3 =	vmov v5  }
0x3d: {  	v1 =	vld.idx.msk [tilespmem:v4+s4+$0x0], $0xffff  }
0x3e: {  	s22 =	sshra.s32 s21, $0x2;
	v7 =	vsub.f32 v8, v7;
	v6 =	vld.idx.msk [tilespmem:v5+s4+$0x0], $0xffff;
	v0 =	vadd.f32 v11, v0  }
.Ltmp0:
0x3f: {  	v4 =	vld [tilespmem:s22+$0x8000];
	(pc) =	sbr.rel @p0 .LBB2_2-.Ltmp0, $4  }
0x40: {  	v11 =	vmul.f32 v7, v7;
	v9 =	vsub.f32 v13, v9;
	v5 =	vld [tilespmem:s22+$0x8500]  }
0x41: {  	v7 =	vld.idx.msk [tilespmem:v2+s13+$0x0], $0xffff  }
0x42: {  	v10 =	vadd.f32 v11, v10;
	v11 =	vmul.f32 v9, v9;
	v12 =	vsub.f32 v14, v12;
	v8 =	vld.idx.msk [tilespmem:v3+s13+$0x0], $0xffff  }
0x43: {  	s21 =	sadd.s32 $0x40, s21;
	v9 =	vld.idx.msk [tilespmem:v2+s14+$0x0], $0xffff  }
0x44: {  	_ =	sdelay $0x3  }
0x45: {  	v13 =	vld.idx.msk [tilespmem:v3+s14+$0x0], $0xffff  }
0x46: {  	v2 =	vld.idx.msk [tilespmem:v2+s15+$0x0], $0xffff  }
0x47: {  	v47 =	vld.idx.msk [tilespmem:v3+s15+$0x0], $0xffff  }
0x48: {  	v14 =	vld.idx.msk [tilespmem:v4+s4+$0x0], $0xffff  }
0x49: {  	v49 =	vld.idx.msk [tilespmem:v4+s13+$0x0], $0xffff  }
0x4a: {  	v10 =	vadd.f32 v11, v10;
	v48 =	vmul.f32 v12, v12;
	v51 =	vld.idx.msk [tilespmem:v4+s14+$0x0], $0xffff;
	v7 =	vsub.f32 v8, v7  }
0x4b: {  	v50 =	vld.idx.msk [tilespmem:v5+s13+$0x0], $0xffff  }
0x4c: {  	v54 =	vld.idx.msk [tilespmem:v4+s15+$0x0], $0xffff;
	v10 =	vadd.f32 v48, v10;
	v7 =	vmul.f32 v7, v7;
	v9 =	vsub.f32 v13, v9  }
0x4d: {  	v52 =	vld.idx.msk [tilespmem:v5+s14+$0x0], $0xffff  }
0x4e: {  	v15 =	vld.idx.msk [tilespmem:v5+s4+$0x0], $0xffff;
	v2 =	vsub.f32 v47, v2;
	v7 =	vadd.f32 v7, v10;
	v53 =	vmul.f32 v9, v9  }
0x4f: {  	v55 =	vld.idx.msk [tilespmem:v5+s15+$0x0], $0xffff  }
0x50: {  	v56 =	vsub.f32 v50, v49;
	v2 =	vmul.f32 v2, v2;
	v3 =	vadd.f32 v53, v7  }
0x51: {  	v1 =	vsub.f32 v6, v1  }
0x52: {  	v58 =	vsub.f32 v52, v51;
	v57 =	vmul.f32 v56, v56;
	v2 =	vadd.f32 v2, v3  }
0x53: {  	v1 =	vmul.f32 v1, v1;
	v59 =	vsub.f32 v15, v14  }
0x54: {  	v4 =	vsub.f32 v55, v54;
	v60 =	vmul.f32 v58, v58;
	v2 =	vadd.f32 v57, v2  }
0x55: {  	v0 =	vadd.f32 v1, v0;
	v61 =	vmul.f32 v59, v59  }
0x56: {  	v62 =	vmul.f32 v4, v4;
	v2 =	vadd.f32 v60, v2  }
0x57: {  	v0 =	vadd.f32 v61, v0  }
0x58: {  	v63 =	vadd.f32 v62, v2  }
0x59: {  	[tilespmem:$0x8A00] =	vst v0  }
0x5a: {  	[tilespmem:$0x8A80] =	vst v63  }
0x5b: {  	[hbm4b:s9+s4] =	stream.linear.scatter [tilespmem:s18], [sflag:$0x1], $0x80, $0x38;
	[tilespmem:$0x8B00] =	vst v63  }
0x5c: {  	s20 =	sadd.s32 $0x1, s20;
	_ =	swait.ge [sflag:s12], $0x80  }
0x5d: {  	p0 =	sne.s32 s20, s11;
	[sflag:s12] =	ssyncset.done $0x0  }
.Ltmp1:
0x5e: {  	[sflag:s12] =	ssyncadd.s32 $0xFFFFFF80;
	(pc) =	sbr.rel @p0 .LBB2_1-.Ltmp1, $4  }
0x5f: {  	[hbm4b:s10+s4] =	stream.linear.scatter [tilespmem:s19], [sflag:$0x1], $0x80, $0x38;
	[tilespmem:$0x8B00] =	vst v63  }
0x60: {  	_ =	swait.ge [sflag:s12], $0x80  }
0x61: {  	[sflag:s12] =	ssyncset.done $0x0  }
0x62: {  	[sflag:s12] =	ssyncadd.s32 $0xFFFFFF80  }
0x63: {  	_ =	sfence.sel $0x180000  }
0x64: {  	[bflag:$0x0] =	sbarrier.arrive $0xFFFF  }
0x65: {  	p0 =	sne.s32 s1, $0x0;
	_ =	strace $0x90000047  }
0x66: {  	s0 =	sadd.s32 @!p0 $0x100000, s0;
	[bflag:$0x2] =	sbarrier.arrive $0xFFFF  }
0x67: {  	[sflag:s0] =	ssyncadd.tile.s32 @!p0 $0x1;
	_ =	shalt  }
.Lfunc_end2:
_tile_overlayer_lowered:
.L_overlay_start_2:
0x68: {  	(tag) =	ssettag $0x2  }
0x69: {  	s0 =	rddreg [dreg:$0x0];
	s2 =	stileid.u32  }
0x6a: {  	s1 =	rddreg [dreg:$0x1];
	p0 =	sne.s32 s2, $0x0  }
0x6b: {  	s3 =	rddreg [dreg:$0x2];
	[bflag:$0x3] =	sbarrier.arrive $0xFFFF;
	s2 =	simm.s32 @!p0 $0x1C01  }
0x6c: {  	[timem:s3], [sflag:s2] =	dma.local @!p0 [hbm:s0], s1  }
0x6d: {  	s0 =	simm.s32 @!p0 $0x1  }
0x6e: {  	_ =	swait.ge @!p0 [sflag:s0], s1  }
0x6f: {  	s1 =	ssub.s32 @!p0 $0x0, s1;
	[sflag:s0] =	ssyncset.done @!p0 $0x0  }
0x70: {  	[sflag:s0] =	ssyncadd.s32 @!p0 s1  }
0x71: {  	[bflag:$0x3] =	sbarrier.arrive $0xFFFF  }
0x72: {  	_ =	shalt  }

</sc_bundles>
